<compile_context>
chip_gen: v7x
topology: tpu7x:2x2x1
jax: 0.10.2.dev20260603
libtpu: 0.0.44.dev20260713+nightly
codegen_flags: <defaults>
</compile_context>

<pallas_src>
import functools

import jax
import jax.numpy as jnp
from jax import lax
from jax.experimental import pallas as pl
from jax.experimental.pallas import tpu as pltpu
from jax.experimental.pallas import tpu_sc as plsc

MAX_BATCH = 32
N_KV_HEADS = 8
Q_LEN = 16
HEAD_DIM = 128
_TOTAL = MAX_BATCH * N_KV_HEADS * Q_LEN * HEAD_DIM
_NC = 2
_NS = 16
_NW = _NC * _NS
_CHUNK = _TOTAL // _NW


@functools.partial(
    pl.kernel,
    mesh=plsc.VectorSubcoreMesh(core_axis_name="c", subcore_axis_name="s"),
    out_type=[
        jax.ShapeDtypeStruct((_TOTAL,), jnp.float32),
        jax.ShapeDtypeStruct((_TOTAL,), jnp.float32),
    ],
    scratch_types=[
        pltpu.VMEM((_CHUNK,), jnp.float32),
        pltpu.VMEM((_CHUNK,), jnp.float32),
        pltpu.SemaphoreType.DMA,
        pltpu.SemaphoreType.DMA,
    ],
)
def _sc_copy(k_hbm, v_hbm, ok_hbm, ov_hbm, kb, vb, sem_k, sem_v):
    wid = lax.axis_index("s") * _NC + lax.axis_index("c")
    sl = pl.ds(wid * _CHUNK, _CHUNK)
    ck = pltpu.async_copy(k_hbm.at[sl], kb, sem_k)
    cv = pltpu.async_copy(v_hbm.at[sl], vb, sem_v)
    ck.wait()
    cko = pltpu.async_copy(kb, ok_hbm.at[sl], sem_k)
    cv.wait()
    cvo = pltpu.async_copy(vb, ov_hbm.at[sl], sem_v)
    cko.wait()
    cvo.wait()


def kernel(k_new, v_new, k_cache, v_cache):
    del k_cache, v_cache
    ok, ov = _sc_copy(k_new.reshape(_TOTAL), v_new.reshape(_TOTAL))
    return (ok.reshape(k_new.shape), ov.reshape(v_new.shape))

# --- scband reference (transcript-rebuilt; emitter-appended) ---
"""Pipeline reference for scband-kvcache-65377992179895 (READ-ONLY COPY).

The authoritative reference and input builder live on the scoring server;
editing this copy changes nothing except your own understanding.
"""

import jax, jax.numpy as jnp
import numpy as np

MAX_BATCH = 32
MAX_SEQ = 2048
N_KV_HEADS = 8
HEAD_DIM = 128
Q_LEN = 16
CURRENT_LEN = 0


def setup_inputs(seed: int = 0) -> dict:
    key = jax.random.key(seed)
    k1, k2 = jax.random.split(key)
    k_new = jax.random.normal(k1, (MAX_BATCH, N_KV_HEADS, Q_LEN, HEAD_DIM), dtype=jnp.float32)
    v_new = jax.random.normal(k2, (MAX_BATCH, N_KV_HEADS, Q_LEN, HEAD_DIM), dtype=jnp.float32)
    k_cache = jnp.zeros((MAX_BATCH, N_KV_HEADS, MAX_SEQ, HEAD_DIM), dtype=jnp.float32)
    v_cache = jnp.zeros((MAX_BATCH, N_KV_HEADS, MAX_SEQ, HEAD_DIM), dtype=jnp.float32)
    return {"k_new": k_new, "v_new": v_new, "k_cache": k_cache, "v_cache": v_cache}


def reference(k_new, v_new, k_cache, v_cache):
    batch_size = k_new.shape[0]
    new_len = k_new.shape[2]
    end_pos = CURRENT_LEN + new_len
    # scatter-overwrite into the preallocated cache buffers
    k_cache = k_cache.at[:batch_size, :, CURRENT_LEN:end_pos, :].set(k_new)
    v_cache = v_cache.at[:batch_size, :, CURRENT_LEN:end_pos, :].set(v_new)
    # return views over the valid prefix
    return (k_cache[:batch_size, :, :end_pos, :], v_cache[:batch_size, :, :end_pos, :])

if __name__ == "__main__":
    import jax
    _d = setup_inputs()
    print(jax.jit(kernel)(*tuple(_d.values())))

</pallas_src>

<mosaic_0001>
#map = affine_map<(d0, d1) -> (0)>
module attributes {stable_mosaic.version = 14 : i64} {
  func.func @_sc_copy(%arg0: i32, %arg1: i32, %arg2: memref<524288xf32, #tpu.memory_space<hbm>>, %arg3: memref<524288xf32, #tpu.memory_space<hbm>>, %arg4: memref<524288xf32, #tpu.memory_space<hbm>>, %arg5: memref<524288xf32, #tpu.memory_space<hbm>>, %arg6: memref<16384xf32, #tpu.memory_space<vmem>>, %arg7: memref<16384xf32, #tpu.memory_space<vmem>>, %arg8: memref<!tpu.dma_semaphore, #tpu.memory_space<semaphore_mem>>, %arg9: memref<!tpu.dma_semaphore, #tpu.memory_space<semaphore_mem>>) attributes {dimension_semantics = [#tpu.dimension_semantics<core_parallel>, #tpu.dimension_semantics<subcore_parallel>], iteration_bounds = array<i64: 2, 16>, scalar_prefetch = 0 : i64, scratch_operands = 4 : i64, tpu.core_type = #tpu.core_type<sc_vector_subcore>, window_params = [{transform_indices = #map}, {transform_indices = #map}, {transform_indices = #map}, {transform_indices = #map}]} {
    %mul3A = arith.constant 2 : i32
    %mul3A_0 = arith.muli %arg1, %mul3A : i32
    %add3A = arith.addi %mul3A_0, %arg0 : i32
    %mul3A_1 = arith.constant 16384 : i32
    %mul3A_2 = arith.muli %add3A, %mul3A_1 : i32
    %dma_start3A = tpu.memref_slice %arg2[%mul3A_2] : memref<524288xf32, #tpu.memory_space<hbm>> -> memref<16384xf32, #tpu.memory_space<hbm>>
    %dma_start3A_3 = tpu.memref_slice %arg2[%mul3A_2] : memref<524288xf32, #tpu.memory_space<hbm>> -> memref<16384xf32, #tpu.memory_space<hbm>>
    tpu.enqueue_dma source(%dma_start3A_3 : memref<16384xf32, #tpu.memory_space<hbm>>) target(%arg6 : memref<16384xf32, #tpu.memory_space<vmem>>) target_semaphore(%arg8 : memref<!tpu.dma_semaphore, #tpu.memory_space<semaphore_mem>>)
    %dma_start3A_4 = tpu.memref_slice %arg3[%mul3A_2] : memref<524288xf32, #tpu.memory_space<hbm>> -> memref<16384xf32, #tpu.memory_space<hbm>>
    %dma_start3A_5 = tpu.memref_slice %arg3[%mul3A_2] : memref<524288xf32, #tpu.memory_space<hbm>> -> memref<16384xf32, #tpu.memory_space<hbm>>
    tpu.enqueue_dma source(%dma_start3A_5 : memref<16384xf32, #tpu.memory_space<hbm>>) target(%arg7 : memref<16384xf32, #tpu.memory_space<vmem>>) target_semaphore(%arg9 : memref<!tpu.dma_semaphore, #tpu.memory_space<semaphore_mem>>)
    %dma_wait3A = tpu.memref_slice %arg2[%mul3A_2] : memref<524288xf32, #tpu.memory_space<hbm>> -> memref<16384xf32, #tpu.memory_space<hbm>>
    %dma_wait3A_6 = tpu.memref_slice %arg2[%mul3A_2] : memref<524288xf32, #tpu.memory_space<hbm>> -> memref<16384xf32, #tpu.memory_space<hbm>>
    tpu.wait_dma2 semaphore(%arg8 : memref<!tpu.dma_semaphore, #tpu.memory_space<semaphore_mem>>) src(%dma_wait3A_6 : memref<16384xf32, #tpu.memory_space<hbm>>) dst(%arg6 : memref<16384xf32, #tpu.memory_space<vmem>>)
    %dma_start3A_7 = tpu.memref_slice %arg4[%mul3A_2] : memref<524288xf32, #tpu.memory_space<hbm>> -> memref<16384xf32, #tpu.memory_space<hbm>>
    %dma_start3A_8 = tpu.memref_slice %arg4[%mul3A_2] : memref<524288xf32, #tpu.memory_space<hbm>> -> memref<16384xf32, #tpu.memory_space<hbm>>
    tpu.enqueue_dma source(%arg6 : memref<16384xf32, #tpu.memory_space<vmem>>) target(%dma_start3A_8 : memref<16384xf32, #tpu.memory_space<hbm>>) target_semaphore(%arg8 : memref<!tpu.dma_semaphore, #tpu.memory_space<semaphore_mem>>)
    %dma_wait3A_9 = tpu.memref_slice %arg3[%mul3A_2] : memref<524288xf32, #tpu.memory_space<hbm>> -> memref<16384xf32, #tpu.memory_space<hbm>>
    %dma_wait3A_10 = tpu.memref_slice %arg3[%mul3A_2] : memref<524288xf32, #tpu.memory_space<hbm>> -> memref<16384xf32, #tpu.memory_space<hbm>>
    tpu.wait_dma2 semaphore(%arg9 : memref<!tpu.dma_semaphore, #tpu.memory_space<semaphore_mem>>) src(%dma_wait3A_10 : memref<16384xf32, #tpu.memory_space<hbm>>) dst(%arg7 : memref<16384xf32, #tpu.memory_space<vmem>>)
    %dma_start3A_11 = tpu.memref_slice %arg5[%mul3A_2] : memref<524288xf32, #tpu.memory_space<hbm>> -> memref<16384xf32, #tpu.memory_space<hbm>>
    %dma_start3A_12 = tpu.memref_slice %arg5[%mul3A_2] : memref<524288xf32, #tpu.memory_space<hbm>> -> memref<16384xf32, #tpu.memory_space<hbm>>
    tpu.enqueue_dma source(%arg7 : memref<16384xf32, #tpu.memory_space<vmem>>) target(%dma_start3A_12 : memref<16384xf32, #tpu.memory_space<hbm>>) target_semaphore(%arg9 : memref<!tpu.dma_semaphore, #tpu.memory_space<semaphore_mem>>)
    %dma_wait3A_13 = tpu.memref_slice %arg4[%mul3A_2] : memref<524288xf32, #tpu.memory_space<hbm>> -> memref<16384xf32, #tpu.memory_space<hbm>>
    %dma_wait3A_14 = tpu.memref_slice %arg4[%mul3A_2] : memref<524288xf32, #tpu.memory_space<hbm>> -> memref<16384xf32, #tpu.memory_space<hbm>>
    tpu.wait_dma2 semaphore(%arg8 : memref<!tpu.dma_semaphore, #tpu.memory_space<semaphore_mem>>) src(%arg6 : memref<16384xf32, #tpu.memory_space<vmem>>) dst(%dma_wait3A_14 : memref<16384xf32, #tpu.memory_space<hbm>>)
    %dma_wait3A_15 = tpu.memref_slice %arg5[%mul3A_2] : memref<524288xf32, #tpu.memory_space<hbm>> -> memref<16384xf32, #tpu.memory_space<hbm>>
    %dma_wait3A_16 = tpu.memref_slice %arg5[%mul3A_2] : memref<524288xf32, #tpu.memory_space<hbm>> -> memref<16384xf32, #tpu.memory_space<hbm>>
    tpu.wait_dma2 semaphore(%arg9 : memref<!tpu.dma_semaphore, #tpu.memory_space<semaphore_mem>>) src(%arg7 : memref<16384xf32, #tpu.memory_space<vmem>>) dst(%dma_wait3A_16 : memref<16384xf32, #tpu.memory_space<hbm>>)
    return
  }
}

</mosaic_0001>

<sc_bundles>
// kernel: kernel.3.cloned.1.call-start
scs
__scs_entry_jumppad:
0x0: {  	(pc) =	sbr.rel $0x88, $3  }
0x1: {  	(tag) =	ssettag $0x0;
	lr =	simm.s32 $0x1  }
0x2: {  	[smem:$0x3F9F] =	sst lr;
	_ =	strace $0xD0000000  }
0x3: {  	_ = 	snop  }
0x4: {  	_ = 	snop  }
0x5: {  	_ = 	snop  }
0x6: {  	_ = 	snop  }
0x7: {  	_ = 	snop  }
__scs_overlays_trampoline_lowered:
0x8: {  	[smem:$0x3FAE] =	sst s0  }
0x9: {  	[smem:$0x3FAF] =	sst s1  }
0xa: {  	[smem:$0x3FB0] =	sst s2  }
0xb: {  	[smem:$0x3FB1] =	sst s3  }
0xc: {  	[smem:$0x3FB2] =	sst s4  }
0xd: {  	[smem:$0x3FB3] =	sst s5  }
0xe: {  	[smem:$0x3FB4] =	sst s6  }
0xf: {  	[smem:$0x3FB5] =	sst s7  }
0x10: {  	[smem:$0x3FB6] =	sst s8  }
0x11: {  	[smem:$0x3FB7] =	sst s9;
	s0 =	simm.s32 @!p0 $0x0  }
0x12: {  	s1 =	sld [smem:$0x3F9D];
	s0 =	simm.s32 @p0 $0x1  }
0x13: {  	[smem:$0x3FB8] =	sst s0;
	s0 =	simm.s32 @!p1 $0x0  }
0x14: {  	s2 =	sld [smem:$0x3F9C];
	s0 =	simm.s32 @p1 $0x1  }
0x15: {  	[smem:$0x3FB9] =	sst s0;
	s0 =	simm.s32 @!p2 $0x0  }
0x16: {  	s3 =	sld [smem:$0x3FDB];
	s0 =	simm.s32 @p2 $0x1  }
0x17: {  	s4 =	simm.s32 $0x1BF5;
	[smem:$0x3FBB] =	sst s0  }
0x18: {  	s0 =	sld [smem:$0x3F9E];
	_ =	swait.ge [sflag:s4], $0x0  }
0x19: {  	s7 =	sld [smem:$0x3F9F]  }
0x1a: {  	s8 =	sadd.s32 $0xFFFFE003, lr  }
0x1b: {  	s9 =	sadd.s32 $0xFFFFFEF7, lr;
	s5 =	simm.s32 $0xFFFFFFFF;
	p2 =	slt.u32 s8, $0xFFFFF086  }
0x1c: {  	p1 =	slt.u32 s9, $0xF7A;
	s5 =	simm.s32 @!p2 $0x0  }
0x1d: {  	s5 =	simm.s32 @p1 $0x1;
	p0 =	seq.s32 s7, s2  }
0x1e: {  	s7 =	smul.u32 @!p0 $0xF7A, s2;
	p2 =	seq.s32 @!p0 s5, $0x0  }
0x1f: {  	s9 =	smul.u32 $0xF7A, s1;
	s8 =	simm.s32 @!p0 $0x1BF5;
	p2 =	por !p2, p0  }
0x20: {  	[sflag:s8] =	ssyncset.s32 @!p0 $0xFFFFF086;
	s6 =	sadd.s32 @!p0 s3, s7;
	s7 =	simm.s32 @!p0 $0x108  }
0x21: {  	s3 =	sadd.s32 s3, s9;
	s6 =	sadd.s32 @!p0 $0x88, s6;
	s7 =	simm.s32 @p2 $0x1082  }
0x22: {  	[simem:s7], [sflag:s8] =	dma.local @!p0 [hbm:s6], $0xF7A  }
0x23: {  	s9 =	sor.u32 $0xD0000000, s2;
	s6 =	simm.s32 $0x108;
	_ =	swait.ge @!p0 [sflag:s8], $0x0  }
0x24: {  	s3 =	sadd.s32 $0x88, s3;
	s6 =	simm.s32 @!p1 $0x1082;
	[sflag:s4] =	ssyncset.s32 $0xFFFFF086  }
0x25: {  	[simem:s6], [sflag:s4] =	dma.local [hbm:s3], $0xF7A  }
0x26: {  	[smem:$0x3F9F] =	sst s1;
	(tag) =	ssettag s2;
	_ =	strace s9  }
0x27: {  	s1 =	sld [smem:$0x3FAF]  }
0x28: {  	s2 =	sld [smem:$0x3FB0]  }
0x29: {  	s4 =	sld [smem:$0x3FB2]  }
0x2a: {  	p0 =	seq.s32 s5, $0x0;
	s5 =	sld [smem:$0x3FB3]  }
0x2b: {  	s6 =	sld [smem:$0x3FB4]  }
0x2c: {  	s7 =	sld [smem:$0x3FB5]  }
0x2d: {  	s3 =	simm.s32 $0x108;
	s8 =	sld [smem:$0x3FB6]  }
0x2e: {  	s3 =	simm.s32 @!p0 $0x1082;
	s9 =	sld [smem:$0x3FB7]  }
0x2f: {  	lr =	sadd.s32 s0, s3;
	s0 =	sld [smem:$0x3FAE]  }
0x30: {  	s3 =	sld [smem:$0x3FB1]  }
0x31: {  	[smem:$0x3FBA] =	sst s10  }
0x32: {  	s10 =	sld [smem:$0x3FB8];
	_ =	sdelay $0x3  }
0x33: {  	p0 =	seq.s32 s10, $0x1;
	s10 =	sld [smem:$0x3FBA];
	_ =	sdelay $0x3  }
0x34: {  	[smem:$0x3FBA] =	sst s10  }
0x35: {  	s10 =	sld [smem:$0x3FB9];
	_ =	sdelay $0x3  }
0x36: {  	p1 =	seq.s32 s10, $0x1;
	s10 =	sld [smem:$0x3FBA];
	_ =	sdelay $0x3  }
0x37: {  	[smem:$0x3FBA] =	sst s10  }
0x38: {  	s10 =	sld [smem:$0x3FBB]  }
0x39: {  	_ = 	snop;
	(pc) =	sbr.ind lr, $3  }
0x3a: {  	_ = 	snop  }
0x3b: {  	_ = 	snop  }
0x3c: {  	p2 =	seq.s32 s10, $0x1;
	s10 =	sld [smem:$0x3FBA]  }
0x3d: {  	_ =	shalt  }
0x3e: {  	_ =	shalt  }
0x3f: {  	_ =	shalt  }
0x40: {  	_ =	shalt  }
0x41: {  	_ =	shalt  }
0x42: {  	_ =	shalt  }
0x43: {  	_ =	shalt  }
0x44: {  	_ =	shalt  }
0x45: {  	_ =	shalt  }
0x46: {  	_ =	shalt  }
0x47: {  	_ =	shalt  }
0x48: {  	_ =	shalt  }
0x49: {  	_ =	shalt  }
0x4a: {  	_ =	shalt  }
0x4b: {  	_ =	shalt  }
0x4c: {  	_ =	shalt  }
0x4d: {  	_ =	shalt  }
0x4e: {  	_ =	shalt  }
0x4f: {  	_ =	shalt  }
0x50: {  	_ =	shalt  }
0x51: {  	_ =	shalt  }
0x52: {  	_ =	shalt  }
0x53: {  	_ =	shalt  }
0x54: {  	_ =	shalt  }
0x55: {  	_ =	shalt  }
0x56: {  	_ =	shalt  }
0x57: {  	_ =	shalt  }
0x58: {  	_ =	shalt  }
0x59: {  	_ =	shalt  }
0x5a: {  	_ =	shalt  }
0x5b: {  	_ =	shalt  }
0x5c: {  	_ =	shalt  }
0x5d: {  	_ =	shalt  }
0x5e: {  	_ =	shalt  }
0x5f: {  	_ =	shalt  }
0x60: {  	_ =	shalt  }
0x61: {  	_ =	shalt  }
0x62: {  	_ =	shalt  }
0x63: {  	_ =	shalt  }
0x64: {  	_ =	shalt  }
0x65: {  	_ =	shalt  }
0x66: {  	_ =	shalt  }
0x67: {  	_ =	shalt  }
0x68: {  	_ =	shalt  }
0x69: {  	_ =	shalt  }
0x6a: {  	_ =	shalt  }
0x6b: {  	_ =	shalt  }
0x6c: {  	_ =	shalt  }
0x6d: {  	_ =	shalt  }
0x6e: {  	_ =	shalt  }
0x6f: {  	_ =	shalt  }
0x70: {  	_ =	shalt  }
0x71: {  	_ =	shalt  }
0x72: {  	_ =	shalt  }
0x73: {  	_ =	shalt  }
0x74: {  	_ =	shalt  }
0x75: {  	_ =	shalt  }
0x76: {  	_ =	shalt  }
0x77: {  	_ =	shalt  }
0x78: {  	_ =	shalt  }
0x79: {  	_ =	shalt  }
0x7a: {  	_ =	shalt  }
0x7b: {  	_ =	shalt  }
0x7c: {  	_ =	shalt  }
0x7d: {  	_ =	shalt  }
0x7e: {  	_ =	shalt  }
0x7f: {  	_ =	shalt  }
0x80: {  	_ =	shalt  }
0x81: {  	_ =	shalt  }
0x82: {  	_ =	shalt  }
0x83: {  	_ =	shalt  }
0x84: {  	_ =	shalt  }
0x85: {  	_ =	shalt  }
0x86: {  	_ =	shalt  }
0x87: {  	_ =	shalt  }
.Lfunc_end0:
.L_simem_size_0:
called_computation_lowered:
.L_overlay_start_0:
0x88: {  	s2 =	sld [smem:$0x3FD9]  }
0x89: {  	s3 =	sld [smem:$0x3FFE];
	_ =	sdelay $0x1  }
0x8a: {  	s1 =	srdreg.scid  }
0x8b: {  	s0 =	sand.u32 $0x1, s1  }
0x8c: {  	s15 =	sshll.u32 s0, $0xA;
	s2 =	sadd.s32 s3, s2  }
0x8d: {  	s2 =	sadd.s32 s2, s15  }
0x8e: {  	[smem:$0x3FC6] =	sst s2  }
0x8f: {  	_ = 	snop  }
0x90: {  	s2 =	sld [smem:$0x3FD0];
	_ =	sdelay $0x1  }
0x91: {  	s16 =	sld [smem:$0x3FC9]  }
0x92: {  	s5 =	simm.s32 $0xA;
	s6 =	simm.s32 $0x10;
	s4 =	sld [smem:$0x3FC8]  }
0x93: {  	[smem:s6], [sflag:s5] =	dma.local [hbm:s2], $0x1  }
0x94: {  	_ =	swait.eq [sflag:s5], $0x1  }
0x95: {  	[sflag:s5] =	ssyncset.done $0x0  }
0x96: {  	s17 =	sld [smem:$0x10];
	[sflag:s5] =	ssyncadd.s32 $0xFFFFFFFF  }
0x97: {  	s18 =	sld [smem:$0x11];
	(tm) =	ssettm $0x1  }
0x98: {  	s19 =	sld [smem:$0x3FFB];
	_ =	sdelay $0x3  }
0x99: {  	_ =	strace s19  }
0x9a: {  	s6 =	sld [smem:$0x3FFC];
	_ =	sdelay $0x3  }
0x9b: {  	_ =	strace s6  }
0x9c: {  	s6 =	sld [smem:$0x3FFD];
	_ =	sdelay $0x3  }
0x9d: {  	_ =	strace s6  }
0x9e: {  	_ =	strace $0x8FFFFFFF  }
0x9f: {  	s20 =	sld [smem:$0x3FDB];
	_ =	sdelay $0x1  }
0xa0: {  	s7 =	simm.s32 $_scs_section_size  }
0xa1: {  	s8 =	simm.s32 $_size__tile_overlayer_lowered;
	s9 =	simm.s32 $_tile_overlayer_lowered  }
0xa2: {  	s23 =	simm.s32 $0x1BFF;
	s22 =	sshll.u32 s9, $0x1;
	s6 =	sadd.s32 s7, s20  }
0xa3: {  	s10 =	simm.s32 $0x0;
	s21 =	sshll.u32 s8, $0x1;
	s8 =	sadd.s32 s22, s6  }
0xa4: {  	[timem:s10], [sflag:s23] =	dma.local [hbm:s8], s21  }
0xa5: {  	_ =	swait.ge [sflag:s23], s21  }
0xa6: {  	s7 =	ssub.s32 $0x0, s21;
	[sflag:s23] =	ssyncset.done $0x0  }
0xa7: {  	[sflag:s23] =	ssyncadd.s32 s7;
	_ =	sdelay $0x1  }
0xa8: {  	s24 =	simm.s32 $0x1B8B  }
0xa9: {  	_ =	swait.ge [sflag:s24], $0x1  }
0xaa: {  	[sflag:s24] =	ssyncset.done $0x0  }
0xab: {  	s25 =	simm.s32 $0x1B8E;
	[sflag:s24] =	ssyncadd.s32 $0xFFFFFFFF  }
0xac: {  	s26 =	simm.s32 $execute0_lowered;
	[smem:$0x3FD2] =	sst s25  }
0xad: {  	s7 =	sshll.u32 s26, $0x1;
	_ =	strace $0x80000046;
	[dreg:$0x1] =	wrdreg $0xFFFFFFFF  }
0xae: {  	s28 =	simm.s32 $_size_execute0_lowered;
	s6 =	sadd.s32 s6, s7;
	[dreg:$0x0] =	wrdreg $0x0  }
0xaf: {  	s7 =	sshll.u32 s28, $0x1;
	[dreg:$0x2] =	wrdreg s6  }
0xb0: {  	[dreg:$0x3] =	wrdreg s7  }
0xb1: {  	[dreg:$0x4] =	wrdreg $0xC0  }
0xb2: {  	_ =	task [dreg:s10], $0x5FFFF  }
0xb3: {  	[dreg:$0x1] =	wrdreg $0xFFFFFFFF  }
0xb4: {  	[dreg:$0x0] =	wrdreg $0x60  }
0xb5: {  	[dreg:$0x2] =	wrdreg s16  }
0xb6: {  	[dreg:$0x3] =	wrdreg s4  }
0xb7: {  	[dreg:$0x4] =	wrdreg s17  }
0xb8: {  	[dreg:$0x5] =	wrdreg s18  }
0xb9: {  	[dreg:$0x6] =	wrdreg $0x9  }
0xba: {  	_ =	task.clear_ibuf [dreg:s10], $0x7FFFF;
	_ =	strace $0x90000046  }
0xbb: {  	s29 =	simm.s32 $0x9;
	_ =	strace $0x80000048  }
0xbc: {  	_ =	swait.ge [sflag:s29], $0x1  }
0xbd: {  	[sflag:s29] =	ssyncadd.s32 $0xFFFFFFFF  }
0xbe: {  	_ =	strace $0x90000048  }
0xbf: {  	_ =	sfence  }
0xc0: {  	s30 =	sld [smem:$0x0];
	_ =	sdelay $0x2  }
0xc1: {  	s31 =	sshll.u32 s1, $0xD;
	s1 =	sshrl.u32 s1, $0x2  }
0xc2: {  	s3 =	sand.u32 $0x4000, s31;
	s1 =	sadd.s32 s1, s30  }
0xc3: {  	s0 =	sor.u32 s3, s0;
	s1 =	sshll.u32 s1, $0x11  }
0xc4: {  	s0 =	sor.u32 s1, s0  }
0xc5: {  	s0 =	sadd.s32 $0x8F2B, s0  }
0xc6: {  	[sflag:s0] =	ssyncadd.remote.s32 $0x1  }
0xc7: {  	_ =	sfence.sel $0xFFFF  }
0xc8: {  	[dreg:$0x0] =	wrdreg $0xFFFFFFFF;
	(pc) =	sbr.abs _section_cstart, $3  }
0xc9: {  	[dreg:$0x1] =	wrdreg $0xFFFFFFFF  }
0xca: {  	_ =	task.clear_ibuf [dreg:s10], $0x2FFFF;
	_ =	strace $0x9FFFFFFF  }
0xcb: {  	(tm) =	ssettm $0x7FFFFFFF  }
tec
execute0_lowered:
.L_overlay_start_1:
0x0: {  	(tag) =	ssettag $0x1  }
0x1: {  	s3 =	rddreg [dreg:$0x0]  }
0x2: {  	s4 =	rddreg [dreg:$0x1]  }
0x3: {  	s7 =	rddreg [dreg:$0x2];
	s2 =	srdreg.scid  }
0x4: {  	s9 =	rddreg [dreg:$0x3];
	s1 =	stileid.u32;
	s10 =	sand.u32 $0x1, s2  }
0x5: {  	s2 =	simm.s32 $0x0;
	s5 =	sshll.u32 s1, $0xC;
	s6 =	sshll.u32 s10, $0xB  }
0x6: {  	[smem:$0x7FF] =	sst s2;
	s11 =	sor.u32 s6, s5  }
0x7: {  	s0 =	rddreg [dreg:$0x4];
	_ =	strace $0x80000047;
	s3 =	sadd.s32 s3, s11  }
0x8: {  	[tilespmem:s2], [sflag:$0x1] =	stream.linear.gather [hbm4b:s3+s2], $0x4000, $0x38;
	[tilespmem:$0x8000] =	vst v63  }
0x9: {  	s5 =	simm.s32 $0x4000;
	s6 =	simm.s32 $0x1;
	s4 =	sadd.s32 s4, s11  }
0xa: {  	[tilespmem:s5], [sflag:$0x2] =	stream.linear.gather [hbm4b:s4+s2], $0x4000, $0x38;
	[tilespmem:$0x8000] =	vst v63  }
0xb: {  	s10 =	ssub.s32 $0x2, s10;
	_ =	swait.ge [sflag:s6], $0x4000  }
0xc: {  	s31 =	sshrl.u32 s10, $0x1;
	[sflag:s6] =	ssyncset.done $0x0  }
0xd: {  	s8 =	sadd.s32 s7, s11;
	s7 =	simm.s32 $0x2;
	[sflag:s6] =	ssyncadd.s32 $0xFFFFC000  }
0xe: {  	[hbm4b:s8+s2] =	stream.linear.scatter [tilespmem:s2], [sflag:$0x1], $0x4000, $0x38;
	[tilespmem:$0x8000] =	vst v63  }
0xf: {  	s10 =	ssub.s32 s10, s31;
	_ =	swait.ge [sflag:s7], $0x4000  }
0x10: {  	s10 =	smax.u32 s10, $0x1;
	[sflag:s7] =	ssyncset.done $0x0  }
0x11: {  	s9 =	sadd.s32 s9, s11;
	p0 =	sne.s32 s10, $0x1;
	[sflag:s7] =	ssyncadd.s32 $0xFFFFC000  }
0x12: {  	[hbm4b:s9+s2] =	stream.linear.scatter [tilespmem:s5], [sflag:$0x2], $0x4000, $0x38;
	[tilespmem:$0x8000] =	vst v63  }
.Ltmp0:
0x13: {  	_ =	swait.ge [sflag:s6], $0x4000;
	(pc) =	sbr.rel @!p0 .LBB2_2-.Ltmp0, $4  }
0x14: {  	[sflag:s6] =	ssyncset.done $0x0  }
0x15: {  	[sflag:s6] =	ssyncadd.s32 $0xFFFFC000  }
0x16: {  	_ =	swait.ge [sflag:s7], $0x4000  }
0x17: {  	s10 =	sadd.s32 $0xFFFFFFFF, s10;
	[sflag:s7] =	ssyncset.done $0x0  }
.LBB2_1:
0x18: {  	p0 =	sne.s32 s10, $0x1;
	s10 =	sadd.s32 $0xFFFFFFFF, s10;
	[sflag:s7] =	ssyncadd.s32 $0xFFFFC000  }
0x19: {  	[tilespmem:s2], [sflag:$0x1] =	stream.linear.gather [hbm4b:s3+s2], $0x4000, $0x38;
	[tilespmem:$0x8000] =	vst v63  }
0x1a: {  	_ = 	snop  }
0x1b: {  	[tilespmem:s5], [sflag:$0x2] =	stream.linear.gather [hbm4b:s4+s2], $0x4000, $0x38;
	[tilespmem:$0x8000] =	vst v63  }
0x1c: {  	_ =	swait.ge [sflag:s6], $0x4000  }
0x1d: {  	[sflag:s6] =	ssyncset.done $0x0  }
0x1e: {  	[sflag:s6] =	ssyncadd.s32 $0xFFFFC000  }
0x1f: {  	[hbm4b:s8+s2] =	stream.linear.scatter [tilespmem:s2], [sflag:$0x1], $0x4000, $0x38;
	[tilespmem:$0x8000] =	vst v63  }
0x20: {  	_ =	swait.ge [sflag:s7], $0x4000  }
0x21: {  	[sflag:s7] =	ssyncset.done $0x0  }
0x22: {  	[sflag:s7] =	ssyncadd.s32 $0xFFFFC000  }
0x23: {  	[hbm4b:s9+s2] =	stream.linear.scatter [tilespmem:s5], [sflag:$0x2], $0x4000, $0x38;
	[tilespmem:$0x8000] =	vst v63  }
.Ltmp1:
0x24: {  	_ =	swait.ge [sflag:s6], $0x4000;
	(pc) =	sbr.rel @p0 .LBB2_1-.Ltmp1, $4  }
0x25: {  	[sflag:s6] =	ssyncset.done $0x0  }
0x26: {  	[sflag:s6] =	ssyncadd.s32 $0xFFFFC000  }
0x27: {  	_ =	swait.ge [sflag:s7], $0x4000  }
0x28: {  	[sflag:s7] =	ssyncset.done $0x0  }
.LBB2_2:
0x29: {  	[sflag:s7] =	ssyncadd.s32 $0xFFFFC000  }
0x2a: {  	_ =	sfence.sel $0x180000  }
0x2b: {  	[bflag:$0x0] =	sbarrier.arrive $0xFFFF  }
0x2c: {  	p0 =	sne.s32 s1, $0x0;
	_ =	strace $0x90000047  }
0x2d: {  	s0 =	sadd.s32 @!p0 $0x100000, s0;
	[bflag:$0x2] =	sbarrier.arrive $0xFFFF  }
0x2e: {  	[sflag:s0] =	ssyncadd.tile.s32 @!p0 $0x1;
	_ =	shalt  }
.Lfunc_end2:
_tile_overlayer_lowered:
.L_overlay_start_2:
0x2f: {  	(tag) =	ssettag $0x2  }
0x30: {  	s0 =	rddreg [dreg:$0x0];
	s2 =	stileid.u32  }
0x31: {  	s1 =	rddreg [dreg:$0x1];
	p0 =	sne.s32 s2, $0x0  }
0x32: {  	s3 =	rddreg [dreg:$0x2];
	[bflag:$0x3] =	sbarrier.arrive $0xFFFF;
	s2 =	simm.s32 @!p0 $0x1C03  }
0x33: {  	[timem:s3], [sflag:s2] =	dma.local @!p0 [hbm:s0], s1  }
0x34: {  	s0 =	simm.s32 @!p0 $0x3  }
0x35: {  	_ =	swait.ge @!p0 [sflag:s0], s1  }
0x36: {  	s1 =	ssub.s32 @!p0 $0x0, s1;
	[sflag:s0] =	ssyncset.done @!p0 $0x0  }
0x37: {  	[sflag:s0] =	ssyncadd.s32 @!p0 s1  }
0x38: {  	[bflag:$0x3] =	sbarrier.arrive $0xFFFF  }
0x39: {  	_ =	shalt  }

</sc_bundles>
